<compile_context>
chip_gen: v7x
topology: tpu7x:2x2x1
jax: 0.10.2.dev20260603
libtpu: 0.0.44.dev20260713+nightly
codegen_flags: <defaults>
</compile_context>

<pallas_src>
import dataclasses
import functools

import jax
import jax.numpy as jnp
from jax import lax
from jax.experimental import pallas as pl
from jax.experimental.pallas import tpu as pltpu
from jax.experimental.pallas import tpu_sc as plsc

_B = 8192
_NW = 32
_RPW = _B // _NW
_CH = 8
_NBATCH = _RPW // 16


def _sc_compiler_params():
    cp = pltpu.CompilerParams()
    if "needs_layout_passes" in pltpu.CompilerParams.__dataclass_fields__:
        cp = dataclasses.replace(cp, needs_layout_passes=False)
    return cp


def _sc_bandwidthify(index):
    mesh = plsc.VectorSubcoreMesh(core_axis_name="c", subcore_axis_name="s")

    @functools.partial(
        pl.kernel,
        out_type=jax.ShapeDtypeStruct((_B, _B), jnp.float32),
        mesh=mesh,
        compiler_params=_sc_compiler_params(),
        scratch_types=[
            pltpu.VMEM((_B,), jnp.float32),
            pltpu.VMEM((_CH, _B), jnp.float32),
            pltpu.SemaphoreType.DMA,
        ],
    )
    def k(idx_hbm, out_hbm, idx_v, buf, sem):
        wid = lax.axis_index("s") * 2 + lax.axis_index("c")
        base = wid * _RPW
        pltpu.sync_copy(idx_hbm, idx_v)
        zero16 = jnp.zeros((16,), jnp.float32)

        @pl.loop(0, _B // 16)
        def _(j):
            for r in range(_CH):
                buf[r, pl.ds(j * 16, 16)] = zero16

        lane = lax.iota(jnp.int32, 16)
        rl = lane & (_CH - 1)
        one_i = jnp.ones((16,), jnp.int32)
        zero_i = jnp.zeros((16,), jnp.int32)
        one_f = jnp.ones((16,), jnp.float32)
        cap = jnp.full((16,), _B - 1, jnp.int32)

        @pl.loop(0, _NBATCH)
        def _(b):
            tok0 = base + b * 16
            x = idx_v[pl.ds(tok0, 16)]
            i1 = x.astype(jnp.int32)
            fr = x - i1.astype(jnp.float32)
            i2 = jnp.minimum(i1 + jnp.where(fr > 0, one_i, zero_i), cap)
            g1 = plsc.load_gather(idx_v, [i1])
            g2 = plsc.load_gather(idx_v, [i2])
            v1 = g1 - g1.astype(jnp.int32).astype(jnp.float32)
            v2 = 1.0 - (g2 - g2.astype(jnp.int32).astype(jnp.float32))
            eq = i1 == i2
            v1 = jnp.where(eq, one_f, v1)
            v2 = jnp.where(eq, one_f, v2)
            for c in range(2):
                mask = (lane >> 3) == c
                plsc.store_scatter(buf, [rl, i1], v1, mask=mask)
                plsc.store_scatter(buf, [rl, i2], v2, mask=mask)
                dst = out_hbm.at[pl.ds(tok0 + c * _CH, _CH)]
                cp = pltpu.make_async_copy(buf, dst, sem)
                cp.start()
                cp.wait()
                plsc.store_scatter(buf, [rl, i1], zero16, mask=mask)
                plsc.store_scatter(buf, [rl, i2], zero16, mask=mask)

    return k(index)


def kernel(index):
    return _sc_bandwidthify(index)

# --- scband reference (transcript-rebuilt; emitter-appended) ---
"""Pipeline reference for scband-bandwidthify-21844203667953 (READ-ONLY COPY).

The authoritative reference and input builder live on the scoring server;
editing this copy changes nothing except your own understanding.
"""

import jax, jax.numpy as jnp
import numpy as np

BANDWIDTH = 8192
N = 8192


def setup_inputs(seed: int = 0) -> dict:
    key = jax.random.key(seed)
    # continuous indices uniformly spread over [0, bandwidth)
    index = jax.random.uniform(key, (N,), dtype=jnp.float32, minval=0.0, maxval=float(BANDWIDTH))
    return {"index": index}


def reference(index):
    bandwidth = BANDWIDTH
    t1 = jnp.floor(index)
    t2 = jnp.ceil(index)
    denominator = t2 - t1
    # safe where: identical math where denominator != 0 (it is 0 only at exact integers)
    denom_safe = jnp.where(denominator != 0, denominator, jnp.ones_like(denominator))
    t = jnp.where(denominator != 0, (index - t1) / denom_safe, jnp.zeros_like(index))
    i1 = jnp.clip(t1.astype(jnp.int32), 0, bandwidth - 1)
    i2 = jnp.clip(t2.astype(jnp.int32), 0, bandwidth - 1)
    t = jnp.clip(t, 0.0, 1.0)
    eye = jnp.eye(bandwidth, dtype=index.dtype)
    # row gathers from the one-hot table, then trailing-axis broadcast of t
    # (matches torch broadcasting: t[j] scales column j), faithful to the module.
    result = t * eye[i1] + (1.0 - t) * eye[i2]
    return result

if __name__ == "__main__":
    import jax
    _d = setup_inputs()
    print(jax.jit(kernel)(*tuple(_d.values())))

</pallas_src>

<mosaic_0001>
#map = affine_map<(d0, d1) -> (0)>
#map1 = affine_map<(d0, d1) -> (0, 0)>
module attributes {stable_mosaic.version = 14 : i64} {
  func.func @k(%arg0: i32, %arg1: i32, %arg2: memref<8192xf32, #tpu.memory_space<hbm>>, %arg3: memref<8192x8192xf32, #tpu.memory_space<hbm>>, %arg4: memref<8192xf32, #tpu.memory_space<vmem>>, %arg5: memref<8x8192xf32, #tpu.memory_space<vmem>>, %arg6: memref<!tpu.dma_semaphore, #tpu.memory_space<semaphore_mem>>) attributes {dimension_semantics = [#tpu.dimension_semantics<core_parallel>, #tpu.dimension_semantics<subcore_parallel>], iteration_bounds = array<i64: 2, 16>, scalar_prefetch = 0 : i64, scratch_operands = 3 : i64, tpu.core_type = #tpu.core_type<sc_vector_subcore>, window_params = [{transform_indices = #map}, {transform_indices = #map1}]} {
    %mul3A = arith.constant 2 : i32
    %mul3A_0 = arith.muli %arg1, %mul3A : i32
    %add3A = arith.addi %mul3A_0, %arg0 : i32
    %mul3A_1 = arith.constant 256 : i32
    %mul3A_2 = arith.muli %add3A, %mul3A_1 : i32
    "tpu.region"() ({
      %run_scoped3A = tpu.sem_alloc : memref<!tpu.dma_semaphore, #tpu.memory_space<semaphore_mem>>
      tpu.enqueue_dma source(%arg2 : memref<8192xf32, #tpu.memory_space<hbm>>) target(%arg4 : memref<8192xf32, #tpu.memory_space<vmem>>) target_semaphore(%run_scoped3A : memref<!tpu.dma_semaphore, #tpu.memory_space<semaphore_mem>>)
      tpu.wait_dma2 semaphore(%run_scoped3A : memref<!tpu.dma_semaphore, #tpu.memory_space<semaphore_mem>>) src(%arg2 : memref<8192xf32, #tpu.memory_space<hbm>>) dst(%arg4 : memref<8192xf32, #tpu.memory_space<vmem>>)
      tpu.yield
    }) : () -> ()
    %broadcast_in_dim3A = arith.constant 0.000000e+00 : f32
    %broadcast_in_dim3A_3 = vector.broadcast %broadcast_in_dim3A : f32 to vector<16xf32>
    %scan3A = arith.constant 0 : i32
    %scan3A_4 = arith.constant 512 : i32
    %scan3A_5 = arith.addi %scan3A, %scan3A_4 : i32
    %scan3A_6 = arith.constant 1 : i32
    scf.for %scan3A_23 = %scan3A to %scan3A_5 step %scan3A_6  : i32 {
      %mul3A_24 = arith.constant 1 : i32
      %mul3A_25 = arith.muli %scan3A_23, %mul3A_24 : i32
      %add3A_26 = arith.constant 0 : i32
      %add3A_27 = arith.addi %add3A_26, %mul3A_25 : i32
      %mul3A_28 = arith.constant 16 : i32
      %mul3A_29 = arith.muli %add3A_27, %mul3A_28 : i32
      %swap3A = arith.constant 0 : i32
      %swap3A_30 = arith.index_cast %swap3A : i32 to index
      %swap3A_31 = arith.index_cast %mul3A_29 : i32 to index
      %swap3A_32 = tpu.vector_load %arg5[%swap3A_30, %swap3A_31] {strides = array<i32>} : memref<8x8192xf32, #tpu.memory_space<vmem>>, vector<16xf32>,
      tpu.vector_store %arg5[%swap3A_30, %swap3A_31], %broadcast_in_dim3A_3 {strides = array<i32>} : memref<8x8192xf32, #tpu.memory_space<vmem>>, vector<16xf32>,
      %mul3A_33 = arith.constant 16 : i32
      %mul3A_34 = arith.muli %add3A_27, %mul3A_33 : i32
      %swap3A_35 = arith.constant 1 : i32
      %swap3A_36 = arith.index_cast %swap3A_35 : i32 to index
      %swap3A_37 = arith.index_cast %mul3A_34 : i32 to index
      %swap3A_38 = tpu.vector_load %arg5[%swap3A_36, %swap3A_37] {strides = array<i32>} : memref<8x8192xf32, #tpu.memory_space<vmem>>, vector<16xf32>,
      tpu.vector_store %arg5[%swap3A_36, %swap3A_37], %broadcast_in_dim3A_3 {strides = array<i32>} : memref<8x8192xf32, #tpu.memory_space<vmem>>, vector<16xf32>,
      %mul3A_39 = arith.constant 16 : i32
      %mul3A_40 = arith.muli %add3A_27, %mul3A_39 : i32
      %swap3A_41 = arith.constant 2 : i32
      %swap3A_42 = arith.index_cast %swap3A_41 : i32 to index
      %swap3A_43 = arith.index_cast %mul3A_40 : i32 to index
      %swap3A_44 = tpu.vector_load %arg5[%swap3A_42, %swap3A_43] {strides = array<i32>} : memref<8x8192xf32, #tpu.memory_space<vmem>>, vector<16xf32>,
      tpu.vector_store %arg5[%swap3A_42, %swap3A_43], %broadcast_in_dim3A_3 {strides = array<i32>} : memref<8x8192xf32, #tpu.memory_space<vmem>>, vector<16xf32>,
      %mul3A_45 = arith.constant 16 : i32
      %mul3A_46 = arith.muli %add3A_27, %mul3A_45 : i32
      %swap3A_47 = arith.constant 3 : i32
      %swap3A_48 = arith.index_cast %swap3A_47 : i32 to index
      %swap3A_49 = arith.index_cast %mul3A_46 : i32 to index
      %swap3A_50 = tpu.vector_load %arg5[%swap3A_48, %swap3A_49] {strides = array<i32>} : memref<8x8192xf32, #tpu.memory_space<vmem>>, vector<16xf32>,
      tpu.vector_store %arg5[%swap3A_48, %swap3A_49], %broadcast_in_dim3A_3 {strides = array<i32>} : memref<8x8192xf32, #tpu.memory_space<vmem>>, vector<16xf32>,
      %mul3A_51 = arith.constant 16 : i32
      %mul3A_52 = arith.muli %add3A_27, %mul3A_51 : i32
      %swap3A_53 = arith.constant 4 : i32
      %swap3A_54 = arith.index_cast %swap3A_53 : i32 to index
      %swap3A_55 = arith.index_cast %mul3A_52 : i32 to index
      %swap3A_56 = tpu.vector_load %arg5[%swap3A_54, %swap3A_55] {strides = array<i32>} : memref<8x8192xf32, #tpu.memory_space<vmem>>, vector<16xf32>,
      tpu.vector_store %arg5[%swap3A_54, %swap3A_55], %broadcast_in_dim3A_3 {strides = array<i32>} : memref<8x8192xf32, #tpu.memory_space<vmem>>, vector<16xf32>,
      %mul3A_57 = arith.constant 16 : i32
      %mul3A_58 = arith.muli %add3A_27, %mul3A_57 : i32
      %swap3A_59 = arith.constant 5 : i32
      %swap3A_60 = arith.index_cast %swap3A_59 : i32 to index
      %swap3A_61 = arith.index_cast %mul3A_58 : i32 to index
      %swap3A_62 = tpu.vector_load %arg5[%swap3A_60, %swap3A_61] {strides = array<i32>} : memref<8x8192xf32, #tpu.memory_space<vmem>>, vector<16xf32>,
      tpu.vector_store %arg5[%swap3A_60, %swap3A_61], %broadcast_in_dim3A_3 {strides = array<i32>} : memref<8x8192xf32, #tpu.memory_space<vmem>>, vector<16xf32>,
      %mul3A_63 = arith.constant 16 : i32
      %mul3A_64 = arith.muli %add3A_27, %mul3A_63 : i32
      %swap3A_65 = arith.constant 6 : i32
      %swap3A_66 = arith.index_cast %swap3A_65 : i32 to index
      %swap3A_67 = arith.index_cast %mul3A_64 : i32 to index
      %swap3A_68 = tpu.vector_load %arg5[%swap3A_66, %swap3A_67] {strides = array<i32>} : memref<8x8192xf32, #tpu.memory_space<vmem>>, vector<16xf32>,
      tpu.vector_store %arg5[%swap3A_66, %swap3A_67], %broadcast_in_dim3A_3 {strides = array<i32>} : memref<8x8192xf32, #tpu.memory_space<vmem>>, vector<16xf32>,
      %mul3A_69 = arith.constant 16 : i32
      %mul3A_70 = arith.muli %add3A_27, %mul3A_69 : i32
      %swap3A_71 = arith.constant 7 : i32
      %swap3A_72 = arith.index_cast %swap3A_71 : i32 to index
      %swap3A_73 = arith.index_cast %mul3A_70 : i32 to index
      %swap3A_74 = tpu.vector_load %arg5[%swap3A_72, %swap3A_73] {strides = array<i32>} : memref<8x8192xf32, #tpu.memory_space<vmem>>, vector<16xf32>,
      tpu.vector_store %arg5[%swap3A_72, %swap3A_73], %broadcast_in_dim3A_3 {strides = array<i32>} : memref<8x8192xf32, #tpu.memory_space<vmem>>, vector<16xf32>,
    }
    %scan3A_7 = arith.constant 512 : i32
    %iota3A = tpu.iota {dimensions = array<i32: 0>} : vector<16xi32>
    %and3A = arith.constant 7 : i32
    %and3A_8 = vector.broadcast %and3A : i32 to vector<16xi32>
    %and3A_9 = arith.andi %iota3A, %and3A_8 : vector<16xi32>
    %broadcast_in_dim3A_10 = arith.constant 1 : i32
    %broadcast_in_dim3A_11 = vector.broadcast %broadcast_in_dim3A_10 : i32 to vector<16xi32>
    %broadcast_in_dim3A_12 = arith.constant 0 : i32
    %broadcast_in_dim3A_13 = vector.broadcast %broadcast_in_dim3A_12 : i32 to vector<16xi32>
    %broadcast_in_dim3A_14 = arith.constant 1.000000e+00 : f32
    %broadcast_in_dim3A_15 = vector.broadcast %broadcast_in_dim3A_14 : f32 to vector<16xf32>
    %broadcast_in_dim3A_16 = arith.constant 8191 : i32
    %broadcast_in_dim3A_17 = vector.broadcast %broadcast_in_dim3A_16 : i32 to vector<16xi32>
    %scan3A_18 = arith.constant 0 : i32
    %scan3A_19 = arith.constant 16 : i32
    %scan3A_20 = arith.addi %scan3A_18, %scan3A_19 : i32
    %scan3A_21 = arith.constant 1 : i32
    scf.for %scan3A_23 = %scan3A_18 to %scan3A_20 step %scan3A_21  : i32 {
      %mul3A_24 = arith.constant 1 : i32
      %mul3A_25 = arith.muli %scan3A_23, %mul3A_24 : i32
      %add3A_26 = arith.constant 0 : i32
      %add3A_27 = arith.addi %add3A_26, %mul3A_25 : i32
      %mul3A_28 = arith.constant 16 : i32
      %mul3A_29 = arith.muli %add3A_27, %mul3A_28 : i32
      %add3A_30 = arith.addi %mul3A_2, %mul3A_29 : i32
      %get3A = arith.index_cast %add3A_30 : i32 to index
      %get3A_31 = tpu.vector_load %arg4[%get3A] {strides = array<i32>} : memref<8192xf32, #tpu.memory_space<vmem>>, vector<16xf32>,
      %convert_element_type3A = arith.fptosi %get3A_31 : vector<16xf32> to vector<16xi32>
      %convert_element_type3A_32 = arith.sitofp %convert_element_type3A : vector<16xi32> to vector<16xf32>
      %sub3A = arith.subf %get3A_31, %convert_element_type3A_32 : vector<16xf32>
      %gt3A = arith.constant 0.000000e+00 : f32
      %gt3A_33 = vector.broadcast %gt3A : f32 to vector<16xf32>
      %gt3A_34 = arith.cmpf ogt, %sub3A, %gt3A_33 : vector<16xf32>
      %select_n3A = arith.select %gt3A_34, %broadcast_in_dim3A_11, %broadcast_in_dim3A_13 : vector<16xi1>, vector<16xi32>
      %add3A_35 = arith.addi %convert_element_type3A, %select_n3A : vector<16xi32>
      %min3A = arith.minsi %add3A_35, %broadcast_in_dim3A_17 : vector<16xi32>
      %gather3A = tpu.vector_load_idx %arg4[%convert_element_type3A] : memref<8192xf32, #tpu.memory_space<vmem>>[vector<16xi32>], vector<16xf32>,
      %gather3A_36 = tpu.vector_load_idx %arg4[%min3A] : memref<8192xf32, #tpu.memory_space<vmem>>[vector<16xi32>], vector<16xf32>,
      %convert_element_type3A_37 = arith.fptosi %gather3A : vector<16xf32> to vector<16xi32>
      %convert_element_type3A_38 = arith.sitofp %convert_element_type3A_37 : vector<16xi32> to vector<16xf32>
      %sub3A_39 = arith.subf %gather3A, %convert_element_type3A_38 : vector<16xf32>
      %convert_element_type3A_40 = arith.fptosi %gather3A_36 : vector<16xf32> to vector<16xi32>
      %convert_element_type3A_41 = arith.sitofp %convert_element_type3A_40 : vector<16xi32> to vector<16xf32>
      %sub3A_42 = arith.subf %gather3A_36, %convert_element_type3A_41 : vector<16xf32>
      %sub3A_43 = arith.constant 1.000000e+00 : f32
      %sub3A_44 = vector.broadcast %sub3A_43 : f32 to vector<16xf32>
      %sub3A_45 = arith.subf %sub3A_44, %sub3A_42 : vector<16xf32>
      %eq3A = arith.cmpi eq, %convert_element_type3A, %min3A : vector<16xi32>
      %select_n3A_46 = arith.select %eq3A, %broadcast_in_dim3A_15, %sub3A_39 : vector<16xi1>, vector<16xf32>
      %select_n3A_47 = arith.select %eq3A, %broadcast_in_dim3A_15, %sub3A_45 : vector<16xi1>, vector<16xf32>
      %shift_right_arithmetic3A = arith.constant 3 : i32
      %shift_right_arithmetic3A_48 = vector.broadcast %shift_right_arithmetic3A : i32 to vector<16xi32>
      %shift_right_arithmetic3A_49 = arith.shrsi %iota3A, %shift_right_arithmetic3A_48 : vector<16xi32>
      %eq3A_50 = arith.constant 0 : i32
      %eq3A_51 = vector.broadcast %eq3A_50 : i32 to vector<16xi32>
      %eq3A_52 = arith.cmpi eq, %shift_right_arithmetic3A_49, %eq3A_51 : vector<16xi32>
      tpu.vector_store_idx %arg5[%and3A_9, %convert_element_type3A], %select_n3A_46 masked %eq3A_52 : memref<8x8192xf32, #tpu.memory_space<vmem>>[vector<16xi32>, vector<16xi32>], vector<16xf32>, vector<16xi1>
      tpu.vector_store_idx %arg5[%and3A_9, %min3A], %select_n3A_47 masked %eq3A_52 : memref<8x8192xf32, #tpu.memory_space<vmem>>[vector<16xi32>, vector<16xi32>], vector<16xf32>, vector<16xi1>
      %add3A_53 = arith.constant 0 : i32
      %add3A_54 = arith.addi %add3A_30, %add3A_53 : i32
      %dma_start3A = arith.constant 0 : i32
      %dma_start3A_55 = tpu.memref_slice %arg3[%add3A_54, %dma_start3A] : memref<8192x8192xf32, #tpu.memory_space<hbm>> -> memref<8x8192xf32, #tpu.memory_space<hbm>>
      %dma_start3A_56 = arith.constant 0 : i32
      %dma_start3A_57 = tpu.memref_slice %arg3[%add3A_54, %dma_start3A_56] : memref<8192x8192xf32, #tpu.memory_space<hbm>> -> memref<8x8192xf32, #tpu.memory_space<hbm>>
      tpu.enqueue_dma source(%arg5 : memref<8x8192xf32, #tpu.memory_space<vmem>>) target(%dma_start3A_57 : memref<8x8192xf32, #tpu.memory_space<hbm>>) target_semaphore(%arg6 : memref<!tpu.dma_semaphore, #tpu.memory_space<semaphore_mem>>)
      %dma_wait3A = arith.constant 0 : i32
      %dma_wait3A_58 = tpu.memref_slice %arg3[%add3A_54, %dma_wait3A] : memref<8192x8192xf32, #tpu.memory_space<hbm>> -> memref<8x8192xf32, #tpu.memory_space<hbm>>
      %dma_wait3A_59 = arith.constant 0 : i32
      %dma_wait3A_60 = tpu.memref_slice %arg3[%add3A_54, %dma_wait3A_59] : memref<8192x8192xf32, #tpu.memory_space<hbm>> -> memref<8x8192xf32, #tpu.memory_space<hbm>>
      tpu.wait_dma2 semaphore(%arg6 : memref<!tpu.dma_semaphore, #tpu.memory_space<semaphore_mem>>) src(%arg5 : memref<8x8192xf32, #tpu.memory_space<vmem>>) dst(%dma_wait3A_60 : memref<8x8192xf32, #tpu.memory_space<hbm>>)
      tpu.vector_store_idx %arg5[%and3A_9, %convert_element_type3A], %broadcast_in_dim3A_3 masked %eq3A_52 : memref<8x8192xf32, #tpu.memory_space<vmem>>[vector<16xi32>, vector<16xi32>], vector<16xf32>, vector<16xi1>
      tpu.vector_store_idx %arg5[%and3A_9, %min3A], %broadcast_in_dim3A_3 masked %eq3A_52 : memref<8x8192xf32, #tpu.memory_space<vmem>>[vector<16xi32>, vector<16xi32>], vector<16xf32>, vector<16xi1>
      %shift_right_arithmetic3A_61 = arith.constant 3 : i32
      %shift_right_arithmetic3A_62 = vector.broadcast %shift_right_arithmetic3A_61 : i32 to vector<16xi32>
      %shift_right_arithmetic3A_63 = arith.shrsi %iota3A, %shift_right_arithmetic3A_62 : vector<16xi32>
      %eq3A_64 = arith.constant 1 : i32
      %eq3A_65 = vector.broadcast %eq3A_64 : i32 to vector<16xi32>
      %eq3A_66 = arith.cmpi eq, %shift_right_arithmetic3A_63, %eq3A_65 : vector<16xi32>
      tpu.vector_store_idx %arg5[%and3A_9, %convert_element_type3A], %select_n3A_46 masked %eq3A_66 : memref<8x8192xf32, #tpu.memory_space<vmem>>[vector<16xi32>, vector<16xi32>], vector<16xf32>, vector<16xi1>
      tpu.vector_store_idx %arg5[%and3A_9, %min3A], %select_n3A_47 masked %eq3A_66 : memref<8x8192xf32, #tpu.memory_space<vmem>>[vector<16xi32>, vector<16xi32>], vector<16xf32>, vector<16xi1>
      %add3A_67 = arith.constant 8 : i32
      %add3A_68 = arith.addi %add3A_30, %add3A_67 : i32
      %dma_start3A_69 = arith.constant 0 : i32
      %dma_start3A_70 = tpu.memref_slice %arg3[%add3A_68, %dma_start3A_69] : memref<8192x8192xf32, #tpu.memory_space<hbm>> -> memref<8x8192xf32, #tpu.memory_space<hbm>>
      %dma_start3A_71 = arith.constant 0 : i32
      %dma_start3A_72 = tpu.memref_slice %arg3[%add3A_68, %dma_start3A_71] : memref<8192x8192xf32, #tpu.memory_space<hbm>> -> memref<8x8192xf32, #tpu.memory_space<hbm>>
      tpu.enqueue_dma source(%arg5 : memref<8x8192xf32, #tpu.memory_space<vmem>>) target(%dma_start3A_72 : memref<8x8192xf32, #tpu.memory_space<hbm>>) target_semaphore(%arg6 : memref<!tpu.dma_semaphore, #tpu.memory_space<semaphore_mem>>)
      %dma_wait3A_73 = arith.constant 0 : i32
      %dma_wait3A_74 = tpu.memref_slice %arg3[%add3A_68, %dma_wait3A_73] : memref<8192x8192xf32, #tpu.memory_space<hbm>> -> memref<8x8192xf32, #tpu.memory_space<hbm>>
      %dma_wait3A_75 = arith.constant 0 : i32
      %dma_wait3A_76 = tpu.memref_slice %arg3[%add3A_68, %dma_wait3A_75] : memref<8192x8192xf32, #tpu.memory_space<hbm>> -> memref<8x8192xf32, #tpu.memory_space<hbm>>
      tpu.wait_dma2 semaphore(%arg6 : memref<!tpu.dma_semaphore, #tpu.memory_space<semaphore_mem>>) src(%arg5 : memref<8x8192xf32, #tpu.memory_space<vmem>>) dst(%dma_wait3A_76 : memref<8x8192xf32, #tpu.memory_space<hbm>>)
      tpu.vector_store_idx %arg5[%and3A_9, %convert_element_type3A], %broadcast_in_dim3A_3 masked %eq3A_66 : memref<8x8192xf32, #tpu.memory_space<vmem>>[vector<16xi32>, vector<16xi32>], vector<16xf32>, vector<16xi1>
      tpu.vector_store_idx %arg5[%and3A_9, %min3A], %broadcast_in_dim3A_3 masked %eq3A_66 : memref<8x8192xf32, #tpu.memory_space<vmem>>[vector<16xi32>, vector<16xi32>], vector<16xf32>, vector<16xi1>
    }
    %scan3A_22 = arith.constant 16 : i32
    return
  }
}

</mosaic_0001>

<sc_bundles>
// kernel: kernel.3.cloned.1.call-start
scs
__scs_entry_jumppad:
0x0: {  	(pc) =	sbr.rel $0x88, $3  }
0x1: {  	(tag) =	ssettag $0x0;
	lr =	simm.s32 $0x1  }
0x2: {  	[smem:$0x3FA0] =	sst lr;
	_ =	strace $0xD0000000  }
0x3: {  	_ = 	snop  }
0x4: {  	_ = 	snop  }
0x5: {  	_ = 	snop  }
0x6: {  	_ = 	snop  }
0x7: {  	_ = 	snop  }
__scs_overlays_trampoline_lowered:
0x8: {  	[smem:$0x3FAF] =	sst s0  }
0x9: {  	[smem:$0x3FB0] =	sst s1  }
0xa: {  	[smem:$0x3FB1] =	sst s2  }
0xb: {  	[smem:$0x3FB2] =	sst s3  }
0xc: {  	[smem:$0x3FB3] =	sst s4  }
0xd: {  	[smem:$0x3FB4] =	sst s5  }
0xe: {  	[smem:$0x3FB5] =	sst s6  }
0xf: {  	[smem:$0x3FB6] =	sst s7  }
0x10: {  	[smem:$0x3FB7] =	sst s8  }
0x11: {  	[smem:$0x3FB8] =	sst s9;
	s0 =	simm.s32 @!p0 $0x0  }
0x12: {  	s1 =	sld [smem:$0x3F9E];
	s0 =	simm.s32 @p0 $0x1  }
0x13: {  	[smem:$0x3FB9] =	sst s0;
	s0 =	simm.s32 @!p1 $0x0  }
0x14: {  	s2 =	sld [smem:$0x3F9D];
	s0 =	simm.s32 @p1 $0x1  }
0x15: {  	[smem:$0x3FBA] =	sst s0;
	s0 =	simm.s32 @!p2 $0x0  }
0x16: {  	s3 =	sld [smem:$0x3FDB];
	s0 =	simm.s32 @p2 $0x1  }
0x17: {  	s4 =	simm.s32 $0x1BF5;
	[smem:$0x3FBC] =	sst s0  }
0x18: {  	s0 =	sld [smem:$0x3F9F];
	_ =	swait.ge [sflag:s4], $0x0  }
0x19: {  	s7 =	sld [smem:$0x3FA0]  }
0x1a: {  	s8 =	sadd.s32 $0xFFFFE003, lr  }
0x1b: {  	s9 =	sadd.s32 $0xFFFFFEF7, lr;
	s5 =	simm.s32 $0xFFFFFFFF;
	p2 =	slt.u32 s8, $0xFFFFF086  }
0x1c: {  	p1 =	slt.u32 s9, $0xF7A;
	s5 =	simm.s32 @!p2 $0x0  }
0x1d: {  	s5 =	simm.s32 @p1 $0x1;
	p0 =	seq.s32 s7, s2  }
0x1e: {  	s7 =	smul.u32 @!p0 $0xF7A, s2;
	p2 =	seq.s32 @!p0 s5, $0x0  }
0x1f: {  	s9 =	smul.u32 $0xF7A, s1;
	s8 =	simm.s32 @!p0 $0x1BF5;
	p2 =	por !p2, p0  }
0x20: {  	[sflag:s8] =	ssyncset.s32 @!p0 $0xFFFFF086;
	s6 =	sadd.s32 @!p0 s3, s7;
	s7 =	simm.s32 @!p0 $0x108  }
0x21: {  	s3 =	sadd.s32 s3, s9;
	s6 =	sadd.s32 @!p0 $0x88, s6;
	s7 =	simm.s32 @p2 $0x1082  }
0x22: {  	[simem:s7], [sflag:s8] =	dma.local @!p0 [hbm:s6], $0xF7A  }
0x23: {  	s9 =	sor.u32 $0xD0000000, s2;
	s6 =	simm.s32 $0x108;
	_ =	swait.ge @!p0 [sflag:s8], $0x0  }
0x24: {  	s3 =	sadd.s32 $0x88, s3;
	s6 =	simm.s32 @!p1 $0x1082;
	[sflag:s4] =	ssyncset.s32 $0xFFFFF086  }
0x25: {  	[simem:s6], [sflag:s4] =	dma.local [hbm:s3], $0xF7A  }
0x26: {  	[smem:$0x3FA0] =	sst s1;
	(tag) =	ssettag s2;
	_ =	strace s9  }
0x27: {  	s1 =	sld [smem:$0x3FB0]  }
0x28: {  	s2 =	sld [smem:$0x3FB1]  }
0x29: {  	s4 =	sld [smem:$0x3FB3]  }
0x2a: {  	p0 =	seq.s32 s5, $0x0;
	s5 =	sld [smem:$0x3FB4]  }
0x2b: {  	s6 =	sld [smem:$0x3FB5]  }
0x2c: {  	s7 =	sld [smem:$0x3FB6]  }
0x2d: {  	s3 =	simm.s32 $0x108;
	s8 =	sld [smem:$0x3FB7]  }
0x2e: {  	s3 =	simm.s32 @!p0 $0x1082;
	s9 =	sld [smem:$0x3FB8]  }
0x2f: {  	lr =	sadd.s32 s0, s3;
	s0 =	sld [smem:$0x3FAF]  }
0x30: {  	s3 =	sld [smem:$0x3FB2]  }
0x31: {  	[smem:$0x3FBB] =	sst s10  }
0x32: {  	s10 =	sld [smem:$0x3FB9];
	_ =	sdelay $0x3  }
0x33: {  	p0 =	seq.s32 s10, $0x1;
	s10 =	sld [smem:$0x3FBB];
	_ =	sdelay $0x3  }
0x34: {  	[smem:$0x3FBB] =	sst s10  }
0x35: {  	s10 =	sld [smem:$0x3FBA];
	_ =	sdelay $0x3  }
0x36: {  	p1 =	seq.s32 s10, $0x1;
	s10 =	sld [smem:$0x3FBB];
	_ =	sdelay $0x3  }
0x37: {  	[smem:$0x3FBB] =	sst s10  }
0x38: {  	s10 =	sld [smem:$0x3FBC]  }
0x39: {  	_ = 	snop;
	(pc) =	sbr.ind lr, $3  }
0x3a: {  	_ = 	snop  }
0x3b: {  	_ = 	snop  }
0x3c: {  	p2 =	seq.s32 s10, $0x1;
	s10 =	sld [smem:$0x3FBB]  }
0x3d: {  	_ =	shalt  }
0x3e: {  	_ =	shalt  }
0x3f: {  	_ =	shalt  }
0x40: {  	_ =	shalt  }
0x41: {  	_ =	shalt  }
0x42: {  	_ =	shalt  }
0x43: {  	_ =	shalt  }
0x44: {  	_ =	shalt  }
0x45: {  	_ =	shalt  }
0x46: {  	_ =	shalt  }
0x47: {  	_ =	shalt  }
0x48: {  	_ =	shalt  }
0x49: {  	_ =	shalt  }
0x4a: {  	_ =	shalt  }
0x4b: {  	_ =	shalt  }
0x4c: {  	_ =	shalt  }
0x4d: {  	_ =	shalt  }
0x4e: {  	_ =	shalt  }
0x4f: {  	_ =	shalt  }
0x50: {  	_ =	shalt  }
0x51: {  	_ =	shalt  }
0x52: {  	_ =	shalt  }
0x53: {  	_ =	shalt  }
0x54: {  	_ =	shalt  }
0x55: {  	_ =	shalt  }
0x56: {  	_ =	shalt  }
0x57: {  	_ =	shalt  }
0x58: {  	_ =	shalt  }
0x59: {  	_ =	shalt  }
0x5a: {  	_ =	shalt  }
0x5b: {  	_ =	shalt  }
0x5c: {  	_ =	shalt  }
0x5d: {  	_ =	shalt  }
0x5e: {  	_ =	shalt  }
0x5f: {  	_ =	shalt  }
0x60: {  	_ =	shalt  }
0x61: {  	_ =	shalt  }
0x62: {  	_ =	shalt  }
0x63: {  	_ =	shalt  }
0x64: {  	_ =	shalt  }
0x65: {  	_ =	shalt  }
0x66: {  	_ =	shalt  }
0x67: {  	_ =	shalt  }
0x68: {  	_ =	shalt  }
0x69: {  	_ =	shalt  }
0x6a: {  	_ =	shalt  }
0x6b: {  	_ =	shalt  }
0x6c: {  	_ =	shalt  }
0x6d: {  	_ =	shalt  }
0x6e: {  	_ =	shalt  }
0x6f: {  	_ =	shalt  }
0x70: {  	_ =	shalt  }
0x71: {  	_ =	shalt  }
0x72: {  	_ =	shalt  }
0x73: {  	_ =	shalt  }
0x74: {  	_ =	shalt  }
0x75: {  	_ =	shalt  }
0x76: {  	_ =	shalt  }
0x77: {  	_ =	shalt  }
0x78: {  	_ =	shalt  }
0x79: {  	_ =	shalt  }
0x7a: {  	_ =	shalt  }
0x7b: {  	_ =	shalt  }
0x7c: {  	_ =	shalt  }
0x7d: {  	_ =	shalt  }
0x7e: {  	_ =	shalt  }
0x7f: {  	_ =	shalt  }
0x80: {  	_ =	shalt  }
0x81: {  	_ =	shalt  }
0x82: {  	_ =	shalt  }
0x83: {  	_ =	shalt  }
0x84: {  	_ =	shalt  }
0x85: {  	_ =	shalt  }
0x86: {  	_ =	shalt  }
0x87: {  	_ =	shalt  }
.Lfunc_end0:
.L_simem_size_0:
called_computation_lowered:
.L_overlay_start_0:
0x88: {  	s2 =	sld [smem:$0x3FD9]  }
0x89: {  	s3 =	sld [smem:$0x3FFE];
	_ =	sdelay $0x1  }
0x8a: {  	s1 =	srdreg.scid  }
0x8b: {  	s0 =	sand.u32 $0x1, s1  }
0x8c: {  	s18 =	sshll.u32 s0, $0xA;
	s2 =	sadd.s32 s3, s2  }
0x8d: {  	s2 =	sadd.s32 s2, s18  }
0x8e: {  	[smem:$0x3FC7] =	sst s2  }
0x8f: {  	_ = 	snop  }
0x90: {  	s2 =	sld [smem:$0x3FC9]  }
0x91: {  	s19 =	sld [smem:$0x3FD0];
	(tm) =	ssettm $0x1  }
0x92: {  	s4 =	sld [smem:$0x3FFB];
	_ =	sdelay $0x3  }
0x93: {  	_ =	strace s4  }
0x94: {  	s4 =	sld [smem:$0x3FFC];
	_ =	sdelay $0x3  }
0x95: {  	_ =	strace s4  }
0x96: {  	s4 =	sld [smem:$0x3FFD];
	_ =	sdelay $0x3  }
0x97: {  	_ =	strace s4  }
0x98: {  	_ =	strace $0x8FFFFFFF  }
0x99: {  	s20 =	sld [smem:$0x3FDB];
	_ =	sdelay $0x1  }
0x9a: {  	s5 =	simm.s32 $_scs_section_size  }
0x9b: {  	s6 =	simm.s32 $_size__tile_overlayer_lowered;
	s7 =	simm.s32 $_tile_overlayer_lowered  }
0x9c: {  	s23 =	simm.s32 $0x1BFF;
	s22 =	sshll.u32 s7, $0x1;
	s4 =	sadd.s32 s5, s20  }
0x9d: {  	s8 =	simm.s32 $0x0;
	s21 =	sshll.u32 s6, $0x1;
	s6 =	sadd.s32 s22, s4  }
0x9e: {  	[timem:s8], [sflag:s23] =	dma.local [hbm:s6], s21  }
0x9f: {  	_ =	swait.ge [sflag:s23], s21  }
0xa0: {  	s5 =	ssub.s32 $0x0, s21;
	[sflag:s23] =	ssyncset.done $0x0  }
0xa1: {  	[sflag:s23] =	ssyncadd.s32 s5;
	_ =	sdelay $0x1  }
0xa2: {  	s24 =	simm.s32 $0x1B8B  }
0xa3: {  	_ =	swait.ge [sflag:s24], $0x1  }
0xa4: {  	[sflag:s24] =	ssyncset.done $0x0  }
0xa5: {  	s25 =	simm.s32 $0x1B8E;
	[sflag:s24] =	ssyncadd.s32 $0xFFFFFFFF  }
0xa6: {  	s26 =	simm.s32 $execute0_lowered;
	[smem:$0x3FD2] =	sst s25  }
0xa7: {  	s5 =	sshll.u32 s26, $0x1;
	_ =	strace $0x80000046;
	[dreg:$0x1] =	wrdreg $0xFFFFFFFF  }
0xa8: {  	s28 =	simm.s32 $_size_execute0_lowered;
	s4 =	sadd.s32 s4, s5;
	[dreg:$0x0] =	wrdreg $0x0  }
0xa9: {  	s5 =	sshll.u32 s28, $0x1;
	[dreg:$0x2] =	wrdreg s4  }
0xaa: {  	[dreg:$0x3] =	wrdreg s5  }
0xab: {  	[dreg:$0x4] =	wrdreg $0xC0  }
0xac: {  	_ =	task [dreg:s8], $0x5FFFF  }
0xad: {  	[dreg:$0x1] =	wrdreg $0xFFFFFFFF  }
0xae: {  	[dreg:$0x0] =	wrdreg $0x60  }
0xaf: {  	[dreg:$0x2] =	wrdreg s2  }
0xb0: {  	[dreg:$0x3] =	wrdreg s19  }
0xb1: {  	[dreg:$0x4] =	wrdreg $0x9  }
0xb2: {  	_ =	task.clear_ibuf [dreg:s8], $0x5FFFF;
	_ =	strace $0x90000046  }
0xb3: {  	s29 =	simm.s32 $0x9;
	_ =	strace $0x80000048  }
0xb4: {  	_ =	swait.ge [sflag:s29], $0x1  }
0xb5: {  	[sflag:s29] =	ssyncadd.s32 $0xFFFFFFFF  }
0xb6: {  	_ =	strace $0x90000048  }
0xb7: {  	_ =	sfence  }
0xb8: {  	s30 =	sld [smem:$0x0];
	_ =	sdelay $0x2  }
0xb9: {  	s31 =	sshll.u32 s1, $0xD;
	s1 =	sshrl.u32 s1, $0x2  }
0xba: {  	s3 =	sand.u32 $0x4000, s31;
	s1 =	sadd.s32 s1, s30  }
0xbb: {  	s0 =	sor.u32 s3, s0;
	s1 =	sshll.u32 s1, $0x11  }
0xbc: {  	s0 =	sor.u32 s1, s0  }
0xbd: {  	s0 =	sadd.s32 $0x8F2B, s0  }
0xbe: {  	[sflag:s0] =	ssyncadd.remote.s32 $0x1  }
0xbf: {  	_ =	sfence.sel $0xFFFF  }
0xc0: {  	[dreg:$0x0] =	wrdreg $0xFFFFFFFF;
	(pc) =	sbr.abs _section_cstart, $3  }
0xc1: {  	[dreg:$0x1] =	wrdreg $0xFFFFFFFF  }
0xc2: {  	_ =	task.clear_ibuf [dreg:s8], $0x2FFFF;
	_ =	strace $0x9FFFFFFF  }
0xc3: {  	(tm) =	ssettm $0x7FFFFFFF  }
tec
execute0_lowered:
.L_overlay_start_1:
0x0: {  	(tag) =	ssettag $0x1  }
0x1: {  	s1 =	rddreg [dreg:$0x0]  }
0x2: {  	s0 =	srdreg.scid;
	s4 =	rddreg [dreg:$0x1];
	s3 =	simm.s32 $0x0  }
0x3: {  	s2 =	stileid.u32;
	s5 =	sand.u32 $0x1, s0;
	s0 =	rddreg [dreg:$0x2]  }
0x4: {  	[smem:$0x7FF] =	sst s3;
	s30 =	sshll.u32 s2, $0x13;
	s6 =	ssub.s32 $0x2, s5  }
0x5: {  	vm0 =	vcmask $0x3F20;
	s8 =	sshll.u32 s2, $0x9;
	_ =	strace $0x80000047;
	s7 =	sshrl.u32 s6, $0x1  }
0x6: {  	s9 =	sshll.u32 s5, $0x12;
	s6 =	ssub.s32 s6, s7;
	s7 =	sadd.s32 s30, s4  }
0x7: {  	v1 =	vlaneseq.u32;
	s10 =	sshll.u32 s5, $0x8;
	s4 =	smax.u32 s6, $0x1;
	s31 =	sadd.s32 s9, s7  }
0x8: {  	v2 =	vand.u32 $0x7, v1;
	s6 =	sor.u32 s10, s8;
	s7 =	simm.s32 $0x2;
	s8 =	simm.s32 $0x2000  }
0x9: {  	v0 =	vimm.f32 $0.0e+00;
	v1 =	vimm.s32 $0x0;
	v2 =	vmul.u32 $0x80, v2;
	s9 =	simm.s32 $0x1;
	s10 =	simm.s32 $0x0;
	s5 =	sadd.s32 $0x2000, s31  }
.LBB2_1:
0xa: {  	[tilespmem:s3], [sflag:$0x2] =	stream.linear.gather [hbm4b:s1+s3], $0x2000, $0x38;
	[tilespmem:$0x12000] =	vst v63  }
0xb: {  	_ =	swait.ge [sflag:s7], $0x2000  }
0xc: {  	s11 =	sand.u32 $0x70, s3;
	s12 =	sand.u32 $0xFC00, s3;
	[sflag:s7] =	ssyncset.done $0x0  }
0xd: {  	s11 =	sor.u32 s11, s12;
	[sflag:s7] =	ssyncadd.s32 $0xFFFFE000  }
0xe: {  	[tilespmem:s11+$0x2080] =	vst v0  }
0xf: {  	[tilespmem:s11+$0x2100] =	vst v0  }
0x10: {  	s15 =	sand.u32 $0x7, s3;
	[tilespmem:s11+$0x2180] =	vst v0  }
0x11: {  	s13 =	simm.s32 $0x10;
	s14 =	simm.s32 $0x0;
	s12 =	simm.s32 $0x0;
	[tilespmem:s11+$0x2200] =	vst v0  }
.LBB2_2:
0x12: {  	p0 =	sne.s32 s13, $0x1FF0;
	s15 =	sshll.u32 s15, $0x4;
	[tilespmem:s11+$0x2280] =	vst v0  }
0x13: {  	s15 =	sadd.s32 s15, s12;
	[tilespmem:s11+$0x2300] =	vst v0;
	s12 =	sadd.s32 $0x80, s12  }
0x14: {  	s16 =	sand.u32 $0x70, s13;
	s17 =	sand.u32 $0xFC00, s12;
	[tilespmem:s11+$0x2000] =	vst v0;
	s15 =	sor.u32 $0x380, s15  }
.Ltmp0:
0x15: {  	s11 =	sor.u32 s16, s17;
	[tilespmem:s15+$0x2000] =	vst v0;
	(pc) =	sbr.rel @p0 .LBB2_2-.Ltmp0, $4  }
0x16: {  	[tilespmem:s11+$0x2080] =	vst v0  }
0x17: {  	[tilespmem:s11+$0x2100] =	vst v0  }
0x18: {  	s14 =	sadd.s32 $0x1, s14;
	[tilespmem:s11+$0x2180] =	vst v0  }
0x19: {  	s13 =	sadd.s32 $0x10, s13;
	s15 =	sand.u32 $0x7, s14;
	[tilespmem:s11+$0x2200] =	vst v0  }
0x1a: {  	s13 =	sshll.u32 s15, $0x4;
	[tilespmem:s11+$0x2280] =	vst v0  }
0x1b: {  	[tilespmem:s11+$0x2300] =	vst v0;
	s24 =	simm.s32 $0x0;
	s14 =	sadd.s32 $0x0, s6;
	s12 =	sadd.s32 s13, s12  }
0x1c: {  	[tilespmem:s11+$0x2000] =	vst v0;
	s26 =	sand.u32 $0x70, s24;
	s28 =	sand.u32 $0x1F80, s14;
	s25 =	sor.u32 $0x380, s12  }
0x1d: {  	s29 =	sor.u32 s26, s28;
	[tilespmem:s25+$0x2000] =	vst v0  }
0x1e: {  	v3 =	vld [tilespmem:s29+$0x0];
	_ =	sdelay $0x4  }
0x1f: {  	v4 =	vtrunc.f32 v3  }
0x20: {  	v5 =	vcvt.f32.s32 v4;
	vm1 =	vgt.f32 v3, v4  }
0x21: {  	v3 =	vsel vm1, $0x1, v1  }
0x22: {  	v3 =	vadd.s32 v5, v3  }
0x23: {  	vm1 =	vlt.s32 v3, $0x1FFF  }
0x24: {  	v4 =	vnsel vm1, $0x1FFF, v3;
	_ =	sdelay $0x4  }
0x25: {  	v3 =	vld.idx.msk [tilespmem:v4+s3+$0x0], $0xffff  }
0x26: {  	v6 =	vld.idx.msk [tilespmem:v5+s3+$0x0], $0xffff;
	_ =	sdelay $0x3  }
0x27: {  	v7 =	vshll.u32 v5, $0x3;
	v8 =	vand.u32 $0x7F, v5;
	v9 =	vtrunc.f32 v3  }
0x28: {  	v7 =	vand.u32 $0xFFFFFC00, v7;
	v10 =	vtrunc.f32 v6;
	v9 =	vcvt.f32.s32 v9  }
0x29: {  	v7 =	vor.u32 v7, v8;
	v62 =	vshll.u32 v4, $0x3;
	v10 =	vcvt.f32.s32 v10  }
0x2a: {  	v11 =	vand.u32 $0x7F, v4;
	v8 =	vand.u32 $0xFFFFFC00, v62;
	v9 =	vcvt.s32.f32 v9  }
0x2b: {  	v7 =	vor.u32 v2, v7;
	v8 =	vor.u32 v8, v11;
	v10 =	vcvt.s32.f32 v10  }
0x2c: {  	v9 =	vsub.f32 v9, v3;
	v3 =	vor.u32 v2, v8  }
0x2d: {  	v6 =	vsub.f32 v6, v10  }
0x2e: {  	vm1 =	veq.s32 v4, v5;
	v63 =	vadd.f32 $1.000000000e+00, v9  }
0x2f: {  	v4 =	vsel vm1, $0x3F800000, v6  }
0x30: {  	[tilespmem:v7+s8+$0x0] =	vst.idx.msk $0xff, v4;
	v5 =	vsel vm1, $0x3F800000, v63  }
0x31: {  	s30 =	sadd.s32 $0xFFFFE000, s5;
	[tilespmem:v3+s8+$0x0] =	vst.idx.msk $0xff, v5  }
0x32: {  	[hbm4b:s30+s3] =	stream.linear.scatter [tilespmem:s8], [sflag:$0x1], $0x10000, $0x38;
	[tilespmem:$0x12000] =	vst v63  }
0x33: {  	_ =	swait.ge [sflag:s9], $0x10000  }
0x34: {  	[sflag:s9] =	ssyncset.done $0x0  }
0x35: {  	[sflag:s9] =	ssyncadd.s32 $0xFFFF0000  }
0x36: {  	[tilespmem:v7+s8+$0x0] =	vst.idx.msk $0xff, v0  }
0x37: {  	[tilespmem:v3+s8+$0x0] =	vst.idx.msk $0xff, v0  }
0x38: {  	[tilespmem:v7+s8+$0x0] =	vst.idx.msk vm0, v4  }
0x39: {  	[tilespmem:v3+s8+$0x0] =	vst.idx.msk vm0, v5  }
0x3a: {  	[hbm4b:s5+s3] =	stream.linear.scatter [tilespmem:s8], [sflag:$0x1], $0x10000, $0x38;
	[tilespmem:$0x12000] =	vst v63  }
0x3b: {  	_ =	swait.ge [sflag:s9], $0x10000  }
0x3c: {  	[sflag:s9] =	ssyncset.done $0x0  }
0x3d: {  	s31 =	simm.s32 $0x10;
	s15 =	simm.s32 $0x20;
	[sflag:s9] =	ssyncadd.s32 $0xFFFF0000  }
0x3e: {  	s11 =	sadd.s32 $0x4000, s5;
	s14 =	sadd.s32 $0x10, s6;
	s12 =	sand.u32 $0x70, s31;
	[tilespmem:v7+s8+$0x0] =	vst.idx.msk vm0, v0  }
.LBB2_4:
0x3f: {  	s16 =	sand.u32 $0x70, s15  }
0x40: {  	s17 =	sand.u32 $0x1F80, s14;
	[tilespmem:v3+s8+$0x0] =	vst.idx.msk vm0, v0;
	s14 =	smov.u32 s15;
	s13 =	sadd.s32 $0x10, s15  }
0x41: {  	p0 =	sne.s32 s15, $0xF0;
	s15 =	sor.u32 s12, s17;
	s12 =	smov.u32 s16  }
0x42: {  	v3 =	vld [tilespmem:s15+$0x0];
	_ =	sdelay $0x4  }
0x43: {  	v4 =	vtrunc.f32 v3  }
0x44: {  	v5 =	vcvt.f32.s32 v4;
	vm1 =	vgt.f32 v3, v4  }
0x45: {  	v3 =	vsel vm1, $0x1, v1  }
0x46: {  	v3 =	vadd.s32 v5, v3;
	v4 =	vshll.u32 v5, $0x3  }
0x47: {  	v6 =	vand.u32 $0x7F, v5;
	vm1 =	vlt.s32 v3, $0x1FFF;
	v4 =	vand.u32 $0xFFFFFC00, v4  }
0x48: {  	v7 =	vnsel vm1, $0x1FFF, v3;
	v3 =	vor.u32 v4, v6  }
0x49: {  	v4 =	vshll.u32 v7, $0x3  }
0x4a: {  	v6 =	vand.u32 $0x7F, v7;
	v4 =	vand.u32 $0xFFFFFC00, v4  }
0x4b: {  	v4 =	vor.u32 v4, v6;
	_ =	sdelay $0x1  }
0x4c: {  	v6 =	vld.idx.msk [tilespmem:v7+s3+$0x0], $0xffff  }
0x4d: {  	v8 =	vld.idx.msk [tilespmem:v5+s3+$0x0], $0xffff;
	_ =	sdelay $0x4  }
0x4e: {  	v9 =	vtrunc.f32 v6  }
0x4f: {  	v10 =	vtrunc.f32 v8;
	v9 =	vcvt.f32.s32 v9  }
0x50: {  	v10 =	vcvt.f32.s32 v10  }
0x51: {  	v9 =	vcvt.s32.f32 v9  }
0x52: {  	v11 =	vor.u32 v2, v3;
	v10 =	vcvt.s32.f32 v10  }
0x53: {  	v3 =	vor.u32 v2, v4;
	v6 =	vsub.f32 v9, v6  }
0x54: {  	v4 =	vsub.f32 v8, v10  }
0x55: {  	vm1 =	veq.s32 v7, v5;
	v6 =	vadd.f32 $1.000000000e+00, v6  }
0x56: {  	v4 =	vsel vm1, $0x3F800000, v4  }
0x57: {  	v5 =	vsel vm1, $0x3F800000, v6;
	[tilespmem:v11+s8+$0x0] =	vst.idx.msk $0xff, v4  }
0x58: {  	s15 =	sadd.s32 $0xFFFFE000, s11;
	[tilespmem:v3+s8+$0x0] =	vst.idx.msk $0xff, v5  }
0x59: {  	[hbm4b:s15+s3] =	stream.linear.scatter [tilespmem:s8], [sflag:$0x1], $0x10000, $0x38;
	[tilespmem:$0x12000] =	vst v63  }
0x5a: {  	_ =	swait.ge [sflag:s9], $0x10000  }
0x5b: {  	[sflag:s9] =	ssyncset.done $0x0  }
0x5c: {  	[sflag:s9] =	ssyncadd.s32 $0xFFFF0000  }
0x5d: {  	[tilespmem:v11+s8+$0x0] =	vst.idx.msk $0xff, v0  }
0x5e: {  	[tilespmem:v3+s8+$0x0] =	vst.idx.msk $0xff, v0  }
0x5f: {  	[tilespmem:v11+s8+$0x0] =	vst.idx.msk vm0, v4  }
0x60: {  	[tilespmem:v3+s8+$0x0] =	vst.idx.msk vm0, v5  }
0x61: {  	[hbm4b:s11+s3] =	stream.linear.scatter [tilespmem:s8], [sflag:$0x1], $0x10000, $0x38;
	[tilespmem:$0x12000] =	vst v63  }
.Ltmp1:
0x62: {  	_ = 	snop;
	(pc) =	sbr.rel @p0 .LBB2_4-.Ltmp1, $4  }
0x63: {  	_ =	swait.ge [sflag:s9], $0x10000  }
0x64: {  	[sflag:s9] =	ssyncset.done $0x0  }
0x65: {  	[sflag:s9] =	ssyncadd.s32 $0xFFFF0000  }
0x66: {  	s14 =	sadd.s32 s14, s6;
	s15 =	smov.u32 s13;
	s11 =	sadd.s32 $0x4000, s11;
	[tilespmem:v11+s8+$0x0] =	vst.idx.msk vm0, v0  }
0x67: {  	_ =	sdelay $0x3  }
0x68: {  	s13 =	sand.u32 $0x1F80, s14  }
0x69: {  	[tilespmem:v3+s8+$0x0] =	vst.idx.msk vm0, v0;
	s12 =	sor.u32 s12, s13  }
0x6a: {  	v3 =	vld [tilespmem:s12+$0x0];
	_ =	sdelay $0x4  }
0x6b: {  	v4 =	vtrunc.f32 v3  }
0x6c: {  	v5 =	vcvt.f32.s32 v4;
	vm1 =	vgt.f32 v3, v4  }
0x6d: {  	v3 =	vsel vm1, $0x1, v1  }
0x6e: {  	v3 =	vadd.s32 v5, v3  }
0x6f: {  	vm1 =	vlt.s32 v3, $0x1FFF  }
0x70: {  	v3 =	vnsel vm1, $0x1FFF, v3;
	_ =	sdelay $0x4  }
0x71: {  	v62 =	vld.idx.msk [tilespmem:v3+s3+$0x0], $0xffff  }
0x72: {  	v6 =	vld.idx.msk [tilespmem:v5+s3+$0x0], $0xffff;
	_ =	sdelay $0x3  }
0x73: {  	v7 =	vshll.u32 v5, $0x3;
	v8 =	vand.u32 $0x7F, v5;
	v9 =	vtrunc.f32 v62  }
0x74: {  	v7 =	vand.u32 $0xFFFFFC00, v7;
	v10 =	vtrunc.f32 v6;
	v9 =	vcvt.f32.s32 v9  }
0x75: {  	v7 =	vor.u32 v7, v8;
	v63 =	vshll.u32 v3, $0x3;
	v10 =	vcvt.f32.s32 v10  }
0x76: {  	v11 =	vand.u32 $0x7F, v3;
	v8 =	vand.u32 $0xFFFFFC00, v63;
	v9 =	vcvt.s32.f32 v9  }
0x77: {  	v7 =	vor.u32 v2, v7;
	v8 =	vor.u32 v8, v11;
	v10 =	vcvt.s32.f32 v10  }
0x78: {  	v8 =	vor.u32 v2, v8;
	v4 =	vsub.f32 v9, v62  }
0x79: {  	v6 =	vsub.f32 v6, v10  }
0x7a: {  	vm1 =	veq.s32 v3, v5;
	v4 =	vadd.f32 $1.000000000e+00, v4  }
0x7b: {  	v3 =	vsel vm1, $0x3F800000, v6  }
0x7c: {  	[tilespmem:v7+s8+$0x0] =	vst.idx.msk $0xff, v3;
	v4 =	vsel vm1, $0x3F800000, v4  }
0x7d: {  	s31 =	sadd.s32 $0xFFFFE000, s11;
	[tilespmem:v8+s8+$0x0] =	vst.idx.msk $0xff, v4  }
0x7e: {  	[hbm4b:s31+s3] =	stream.linear.scatter [tilespmem:s8], [sflag:$0x1], $0x10000, $0x38;
	[tilespmem:$0x12000] =	vst v63  }
0x7f: {  	_ =	swait.ge [sflag:s9], $0x10000  }
0x80: {  	[sflag:s9] =	ssyncset.done $0x0  }
0x81: {  	[sflag:s9] =	ssyncadd.s32 $0xFFFF0000  }
0x82: {  	[tilespmem:v7+s8+$0x0] =	vst.idx.msk $0xff, v0  }
0x83: {  	[tilespmem:v8+s8+$0x0] =	vst.idx.msk $0xff, v0  }
0x84: {  	s10 =	sadd.s32 $0x1, s10;
	[tilespmem:v7+s8+$0x0] =	vst.idx.msk vm0, v3  }
0x85: {  	p0 =	sne.s32 s10, s4;
	[tilespmem:v8+s8+$0x0] =	vst.idx.msk vm0, v4  }
0x86: {  	[hbm4b:s11+s3] =	stream.linear.scatter [tilespmem:s8], [sflag:$0x1], $0x10000, $0x38;
	[tilespmem:$0x12000] =	vst v63  }
.Ltmp2:
0x87: {  	_ =	swait.ge [sflag:s9], $0x10000;
	(pc) =	sbr.rel @p0 .LBB2_1-.Ltmp2, $4  }
0x88: {  	[sflag:s9] =	ssyncset.done $0x0  }
0x89: {  	[sflag:s9] =	ssyncadd.s32 $0xFFFF0000  }
0x8a: {  	[tilespmem:v7+s8+$0x0] =	vst.idx.msk vm0, v0  }
0x8b: {  	[tilespmem:v8+s8+$0x0] =	vst.idx.msk vm0, v0  }
0x8c: {  	_ =	sfence.sel $0x180000  }
0x8d: {  	[bflag:$0x0] =	sbarrier.arrive $0xFFFF  }
0x8e: {  	p0 =	sne.s32 s2, $0x0;
	_ =	strace $0x90000047  }
0x8f: {  	s0 =	sadd.s32 @!p0 $0x100000, s0;
	[bflag:$0x2] =	sbarrier.arrive $0xFFFF  }
0x90: {  	[sflag:s0] =	ssyncadd.tile.s32 @!p0 $0x1;
	_ =	shalt  }
.Lfunc_end2:
_tile_overlayer_lowered:
.L_overlay_start_2:
0x91: {  	(tag) =	ssettag $0x2  }
0x92: {  	s0 =	rddreg [dreg:$0x0];
	s2 =	stileid.u32  }
0x93: {  	s1 =	rddreg [dreg:$0x1];
	p0 =	sne.s32 s2, $0x0  }
0x94: {  	s3 =	rddreg [dreg:$0x2];
	[bflag:$0x3] =	sbarrier.arrive $0xFFFF;
	s2 =	simm.s32 @!p0 $0x1C02  }
0x95: {  	[timem:s3], [sflag:s2] =	dma.local @!p0 [hbm:s0], s1  }
0x96: {  	s0 =	simm.s32 @!p0 $0x2  }
0x97: {  	_ =	swait.ge @!p0 [sflag:s0], s1  }
0x98: {  	s1 =	ssub.s32 @!p0 $0x0, s1;
	[sflag:s0] =	ssyncset.done @!p0 $0x0  }
0x99: {  	[sflag:s0] =	ssyncadd.s32 @!p0 s1  }
0x9a: {  	[bflag:$0x3] =	sbarrier.arrive $0xFFFF  }
0x9b: {  	_ =	shalt  }

</sc_bundles>
